<compile_context>
chip_gen: v7x
topology: tpu7x:2x2x1
jax: 0.10.2.dev20260603
libtpu: 0.0.44.dev20260713+nightly
codegen_flags: <defaults>
</compile_context>

<pallas_src>
import functools

import jax
import jax.numpy as jnp
from jax import lax
from jax.experimental import pallas as pl
from jax.experimental.pallas import tpu as pltpu
from jax.experimental.pallas import tpu_sc as plsc


def _mimo_embed_sc(xh, table_flat, H, V, D, R):
    info = plsc.get_sparse_core_info()
    NC, NS, NL = info.num_cores, info.num_subcores, info.num_lanes
    NW = NC * NS
    rpw = R // NW
    NCHUNK = 4
    C = rpw // NCHUNK
    assert rpw % NCHUNK == 0 and C % 8 == 0

    mesh = plsc.VectorSubcoreMesh(core_axis_name="c", subcore_axis_name="s")

    @functools.partial(
        pl.kernel,
        out_type=jax.ShapeDtypeStruct((R, D), jnp.float32),
        mesh=mesh,
        scratch_types=[
            [pltpu.VMEM((rpw,), jnp.int32) for _ in range(H)],
            [pltpu.VMEM((C, D), jnp.float32) for _ in range(NCHUNK)],
            pltpu.SemaphoreType.DMA,
            [pltpu.SemaphoreType.DMA for _ in range(NCHUNK)],
            [pltpu.SemaphoreType.DMA for _ in range(NCHUNK)],
            [pltpu.SemaphoreType.DMA for _ in range(NCHUNK)],
        ],
        compiler_params=pltpu.CompilerParams(use_tc_tiling_on_sc=False),
    )
    def k(x_hbm, tab_hbm, out_hbm, idx_v, acc_v, sem_i, sem_g0, sem_ga,
          sem_o):
        wid = lax.axis_index("s") * NC + lax.axis_index("c")
        base = wid * rpw

        idx_cp = [
            pltpu.async_copy(x_hbm.at[pl.ds(h * R + base, rpw)], idx_v[h],
                             sem_i)
            for h in range(H)
        ]
        for cp in idx_cp:
            cp.wait()

        def off(h):
            def body(i, carry):
                ih = idx_v[h]
                ih[pl.ds(i * NL, NL)] = ih[pl.ds(i * NL, NL)] + h * V
                return carry
            return body

        for h in range(1, H):
            lax.fori_loop(0, rpw // NL, off(h), 0)

        g0 = [
            pltpu.async_copy(
                tab_hbm.at[idx_v[0].at[pl.ds(g * C, C)]], acc_v[g],
                sem_g0[g])
            for g in range(NCHUNK)
        ]
        ga = []
        for g in range(NCHUNK):
            g0[g].wait()
            ga.append([
                pltpu.async_copy(
                    tab_hbm.at[idx_v[h].at[pl.ds(g * C, C)]], acc_v[g],
                    sem_ga[g], add=True)
                for h in range(1, H)
            ])
        ow = []
        for g in range(NCHUNK):
            for cp in ga[g]:
                cp.wait()
            ow.append(
                pltpu.async_copy(acc_v[g], out_hbm.at[pl.ds(base + g * C, C)],
                                 sem_o[g]))
        for cp in ow:
            cp.wait()

    return k(xh, table_flat)


def kernel(x, tables):
    H, V, D = tables.shape
    B, L = x.shape
    R = (B // H) * L
    xh = x.reshape(H * R)
    table_flat = tables.reshape(H * V, D)
    out = _mimo_embed_sc(xh, table_flat, H, V, D, R)
    return out.reshape(B // H, L, D)

# --- scband reference (transcript-rebuilt; emitter-appended) ---
"""Pipeline reference for scband-mimo-embedding-65575560675812 (READ-ONLY COPY).

The authoritative reference and input builder live on the scoring server;
editing this copy changes nothing except your own understanding.
"""

import jax, jax.numpy as jnp
import numpy as np

NUM_EMBEDDINGS = 100000
EMBEDDING_DIM = 64
NUM_HEADS = 4
PADDING_IDX = 0


def setup_inputs(seed: int = 0) -> dict:
    key = jax.random.key(seed)
    k_idx, k_tab = jax.random.split(key)
    x = jax.random.randint(k_idx, (4096, 50), 0, NUM_EMBEDDINGS, dtype=jnp.int64 if jax.config.jax_enable_x64 else jnp.int32)
    x = x.astype(jnp.int32)
    tables = jax.random.normal(k_tab, (NUM_HEADS, NUM_EMBEDDINGS, EMBEDDING_DIM), dtype=jnp.float32) * (EMBEDDING_DIM ** (-0.5))
    tables = tables.at[:, PADDING_IDX, :].set(0.0)
    return {"x": x, "tables": tables}


def reference(x, tables):
    # MimoEmbedding.forward in training mode:
    #   x.view(num_heads, B // num_heads, L), then sum of per-head embedding lookups.
    H = tables.shape[0]
    B, L = x.shape
    xr = x.reshape(H, B // H, L)
    out = jnp.zeros((B // H, L, tables.shape[-1]), dtype=tables.dtype)
    for i in range(H):
        idx = xr[i]
        emb = jnp.take(tables[i], idx, axis=0)
        # padding_idx semantics: padding row is zero and receives no gradient
        emb = jnp.where(idx[..., None] == PADDING_IDX, 0.0, emb)
        out = out + emb
    return out

if __name__ == "__main__":
    import jax
    _d = setup_inputs()
    print(jax.jit(kernel)(*tuple(_d.values())))

</pallas_src>

<mosaic_0001>
#map = affine_map<(d0, d1) -> (0)>
#map1 = affine_map<(d0, d1) -> (0, 0)>
module attributes {stable_mosaic.version = 14 : i64} {
  func.func @k(%arg0: i32, %arg1: i32, %arg2: memref<204800xi32, #tpu.memory_space<hbm>>, %arg3: memref<400000x64xf32, #tpu.memory_space<hbm>>, %arg4: memref<51200x64xf32, #tpu.memory_space<hbm>>, %arg5: memref<1600xi32, #tpu.memory_space<vmem>>, %arg6: memref<1600xi32, #tpu.memory_space<vmem>>, %arg7: memref<1600xi32, #tpu.memory_space<vmem>>, %arg8: memref<1600xi32, #tpu.memory_space<vmem>>, %arg9: memref<400x64xf32, #tpu.memory_space<vmem>>, %arg10: memref<400x64xf32, #tpu.memory_space<vmem>>, %arg11: memref<400x64xf32, #tpu.memory_space<vmem>>, %arg12: memref<400x64xf32, #tpu.memory_space<vmem>>, %arg13: memref<!tpu.dma_semaphore, #tpu.memory_space<semaphore_mem>>, %arg14: memref<!tpu.dma_semaphore, #tpu.memory_space<semaphore_mem>>, %arg15: memref<!tpu.dma_semaphore, #tpu.memory_space<semaphore_mem>>, %arg16: memref<!tpu.dma_semaphore, #tpu.memory_space<semaphore_mem>>, %arg17: memref<!tpu.dma_semaphore, #tpu.memory_space<semaphore_mem>>, %arg18: memref<!tpu.dma_semaphore, #tpu.memory_space<semaphore_mem>>, %arg19: memref<!tpu.dma_semaphore, #tpu.memory_space<semaphore_mem>>, %arg20: memref<!tpu.dma_semaphore, #tpu.memory_space<semaphore_mem>>, %arg21: memref<!tpu.dma_semaphore, #tpu.memory_space<semaphore_mem>>, %arg22: memref<!tpu.dma_semaphore, #tpu.memory_space<semaphore_mem>>, %arg23: memref<!tpu.dma_semaphore, #tpu.memory_space<semaphore_mem>>, %arg24: memref<!tpu.dma_semaphore, #tpu.memory_space<semaphore_mem>>, %arg25: memref<!tpu.dma_semaphore, #tpu.memory_space<semaphore_mem>>) attributes {dimension_semantics = [#tpu.dimension_semantics<core_parallel>, #tpu.dimension_semantics<subcore_parallel>], iteration_bounds = array<i64: 2, 16>, scalar_prefetch = 0 : i64, scratch_operands = 21 : i64, tpu.core_type = #tpu.core_type<sc_vector_subcore>, window_params = [{transform_indices = #map}, {transform_indices = #map1}, {transform_indices = #map1}]} {
    %mul3A = arith.constant 2 : i32
    %mul3A_0 = arith.muli %arg1, %mul3A : i32
    %add3A = arith.addi %mul3A_0, %arg0 : i32
    %mul3A_1 = arith.constant 1600 : i32
    %mul3A_2 = arith.muli %add3A, %mul3A_1 : i32
    %add3A_3 = arith.constant 0 : i32
    %add3A_4 = arith.addi %add3A_3, %mul3A_2 : i32
    %dma_start3A = tpu.memref_slice %arg2[%add3A_4] : memref<204800xi32, #tpu.memory_space<hbm>> -> memref<1600xi32, #tpu.memory_space<hbm>>
    %dma_start3A_5 = tpu.memref_slice %arg2[%add3A_4] : memref<204800xi32, #tpu.memory_space<hbm>> -> memref<1600xi32, #tpu.memory_space<hbm>>
    tpu.enqueue_dma source(%dma_start3A_5 : memref<1600xi32, #tpu.memory_space<hbm>>) target(%arg5 : memref<1600xi32, #tpu.memory_space<vmem>>) target_semaphore(%arg13 : memref<!tpu.dma_semaphore, #tpu.memory_space<semaphore_mem>>)
    %add3A_6 = arith.constant 51200 : i32
    %add3A_7 = arith.addi %add3A_6, %mul3A_2 : i32
    %dma_start3A_8 = tpu.memref_slice %arg2[%add3A_7] : memref<204800xi32, #tpu.memory_space<hbm>> -> memref<1600xi32, #tpu.memory_space<hbm>>
    %dma_start3A_9 = tpu.memref_slice %arg2[%add3A_7] : memref<204800xi32, #tpu.memory_space<hbm>> -> memref<1600xi32, #tpu.memory_space<hbm>>
    tpu.enqueue_dma source(%dma_start3A_9 : memref<1600xi32, #tpu.memory_space<hbm>>) target(%arg6 : memref<1600xi32, #tpu.memory_space<vmem>>) target_semaphore(%arg13 : memref<!tpu.dma_semaphore, #tpu.memory_space<semaphore_mem>>)
    %add3A_10 = arith.constant 102400 : i32
    %add3A_11 = arith.addi %add3A_10, %mul3A_2 : i32
    %dma_start3A_12 = tpu.memref_slice %arg2[%add3A_11] : memref<204800xi32, #tpu.memory_space<hbm>> -> memref<1600xi32, #tpu.memory_space<hbm>>
    %dma_start3A_13 = tpu.memref_slice %arg2[%add3A_11] : memref<204800xi32, #tpu.memory_space<hbm>> -> memref<1600xi32, #tpu.memory_space<hbm>>
    tpu.enqueue_dma source(%dma_start3A_13 : memref<1600xi32, #tpu.memory_space<hbm>>) target(%arg7 : memref<1600xi32, #tpu.memory_space<vmem>>) target_semaphore(%arg13 : memref<!tpu.dma_semaphore, #tpu.memory_space<semaphore_mem>>)
    %add3A_14 = arith.constant 153600 : i32
    %add3A_15 = arith.addi %add3A_14, %mul3A_2 : i32
    %dma_start3A_16 = tpu.memref_slice %arg2[%add3A_15] : memref<204800xi32, #tpu.memory_space<hbm>> -> memref<1600xi32, #tpu.memory_space<hbm>>
    %dma_start3A_17 = tpu.memref_slice %arg2[%add3A_15] : memref<204800xi32, #tpu.memory_space<hbm>> -> memref<1600xi32, #tpu.memory_space<hbm>>
    tpu.enqueue_dma source(%dma_start3A_17 : memref<1600xi32, #tpu.memory_space<hbm>>) target(%arg8 : memref<1600xi32, #tpu.memory_space<vmem>>) target_semaphore(%arg13 : memref<!tpu.dma_semaphore, #tpu.memory_space<semaphore_mem>>)
    %dma_wait3A = tpu.memref_slice %arg2[%add3A_4] : memref<204800xi32, #tpu.memory_space<hbm>> -> memref<1600xi32, #tpu.memory_space<hbm>>
    %dma_wait3A_18 = tpu.memref_slice %arg2[%add3A_4] : memref<204800xi32, #tpu.memory_space<hbm>> -> memref<1600xi32, #tpu.memory_space<hbm>>
    tpu.wait_dma2 semaphore(%arg13 : memref<!tpu.dma_semaphore, #tpu.memory_space<semaphore_mem>>) src(%dma_wait3A_18 : memref<1600xi32, #tpu.memory_space<hbm>>) dst(%arg5 : memref<1600xi32, #tpu.memory_space<vmem>>)
    %dma_wait3A_19 = tpu.memref_slice %arg2[%add3A_7] : memref<204800xi32, #tpu.memory_space<hbm>> -> memref<1600xi32, #tpu.memory_space<hbm>>
    %dma_wait3A_20 = tpu.memref_slice %arg2[%add3A_7] : memref<204800xi32, #tpu.memory_space<hbm>> -> memref<1600xi32, #tpu.memory_space<hbm>>
    tpu.wait_dma2 semaphore(%arg13 : memref<!tpu.dma_semaphore, #tpu.memory_space<semaphore_mem>>) src(%dma_wait3A_20 : memref<1600xi32, #tpu.memory_space<hbm>>) dst(%arg6 : memref<1600xi32, #tpu.memory_space<vmem>>)
    %dma_wait3A_21 = tpu.memref_slice %arg2[%add3A_11] : memref<204800xi32, #tpu.memory_space<hbm>> -> memref<1600xi32, #tpu.memory_space<hbm>>
    %dma_wait3A_22 = tpu.memref_slice %arg2[%add3A_11] : memref<204800xi32, #tpu.memory_space<hbm>> -> memref<1600xi32, #tpu.memory_space<hbm>>
    tpu.wait_dma2 semaphore(%arg13 : memref<!tpu.dma_semaphore, #tpu.memory_space<semaphore_mem>>) src(%dma_wait3A_22 : memref<1600xi32, #tpu.memory_space<hbm>>) dst(%arg7 : memref<1600xi32, #tpu.memory_space<vmem>>)
    %dma_wait3A_23 = tpu.memref_slice %arg2[%add3A_15] : memref<204800xi32, #tpu.memory_space<hbm>> -> memref<1600xi32, #tpu.memory_space<hbm>>
    %dma_wait3A_24 = tpu.memref_slice %arg2[%add3A_15] : memref<204800xi32, #tpu.memory_space<hbm>> -> memref<1600xi32, #tpu.memory_space<hbm>>
    tpu.wait_dma2 semaphore(%arg13 : memref<!tpu.dma_semaphore, #tpu.memory_space<semaphore_mem>>) src(%dma_wait3A_24 : memref<1600xi32, #tpu.memory_space<hbm>>) dst(%arg8 : memref<1600xi32, #tpu.memory_space<vmem>>)
    %scan3A = arith.constant 0 : i32
    %scan3A_25 = arith.constant 0 : i32
    %scan3A_26 = arith.constant 100 : i32
    %scan3A_27 = arith.addi %scan3A_25, %scan3A_26 : i32
    %scan3A_28 = arith.constant 1 : i32
    scf.for %scan3A_242 = %scan3A_25 to %scan3A_27 step %scan3A_28  : i32 {
      %mul3A_243 = arith.constant 16 : i32
      %mul3A_244 = arith.muli %scan3A_242, %mul3A_243 : i32
      %get3A = arith.index_cast %mul3A_244 : i32 to index
      %get3A_245 = tpu.vector_load %arg6[%get3A] {strides = array<i32>} : memref<1600xi32, #tpu.memory_space<vmem>>, vector<16xi32>,
      %get3A_246 = vector.shape_cast %get3A_245 : vector<16xi32> to vector<16xi32>
      %add3A_247 = arith.constant 100000 : i32
      %add3A_248 = vector.broadcast %add3A_247 : i32 to vector<16xi32>
      %add3A_249 = arith.addi %get3A_246, %add3A_248 : vector<16xi32>
      %mul3A_250 = arith.constant 16 : i32
      %mul3A_251 = arith.muli %scan3A_242, %mul3A_250 : i32
      %swap3A = arith.index_cast %mul3A_251 : i32 to index
      %swap3A_252 = tpu.vector_load %arg6[%swap3A] {strides = array<i32>} : memref<1600xi32, #tpu.memory_space<vmem>>, vector<16xi32>,
      %swap3A_253 = vector.shape_cast %swap3A_252 : vector<16xi32> to vector<16xi32>
      %swap3A_254 = vector.shape_cast %add3A_249 : vector<16xi32> to vector<16xi32>
      tpu.vector_store %arg6[%swap3A], %swap3A_254 {strides = array<i32>} : memref<1600xi32, #tpu.memory_space<vmem>>, vector<16xi32>,
    }
    %scan3A_29 = arith.constant 100 : i32
    %scan3A_30 = arith.constant 0 : i32
    %scan3A_31 = arith.constant 0 : i32
    %scan3A_32 = arith.constant 100 : i32
    %scan3A_33 = arith.addi %scan3A_31, %scan3A_32 : i32
    %scan3A_34 = arith.constant 1 : i32
    scf.for %scan3A_242 = %scan3A_31 to %scan3A_33 step %scan3A_34  : i32 {
      %mul3A_243 = arith.constant 16 : i32
      %mul3A_244 = arith.muli %scan3A_242, %mul3A_243 : i32
      %get3A = arith.index_cast %mul3A_244 : i32 to index
      %get3A_245 = tpu.vector_load %arg7[%get3A] {strides = array<i32>} : memref<1600xi32, #tpu.memory_space<vmem>>, vector<16xi32>,
      %get3A_246 = vector.shape_cast %get3A_245 : vector<16xi32> to vector<16xi32>
      %add3A_247 = arith.constant 200000 : i32
      %add3A_248 = vector.broadcast %add3A_247 : i32 to vector<16xi32>
      %add3A_249 = arith.addi %get3A_246, %add3A_248 : vector<16xi32>
      %mul3A_250 = arith.constant 16 : i32
      %mul3A_251 = arith.muli %scan3A_242, %mul3A_250 : i32
      %swap3A = arith.index_cast %mul3A_251 : i32 to index
      %swap3A_252 = tpu.vector_load %arg7[%swap3A] {strides = array<i32>} : memref<1600xi32, #tpu.memory_space<vmem>>, vector<16xi32>,
      %swap3A_253 = vector.shape_cast %swap3A_252 : vector<16xi32> to vector<16xi32>
      %swap3A_254 = vector.shape_cast %add3A_249 : vector<16xi32> to vector<16xi32>
      tpu.vector_store %arg7[%swap3A], %swap3A_254 {strides = array<i32>} : memref<1600xi32, #tpu.memory_space<vmem>>, vector<16xi32>,
    }
    %scan3A_35 = arith.constant 100 : i32
    %scan3A_36 = arith.constant 0 : i32
    %scan3A_37 = arith.constant 0 : i32
    %scan3A_38 = arith.constant 100 : i32
    %scan3A_39 = arith.addi %scan3A_37, %scan3A_38 : i32
    %scan3A_40 = arith.constant 1 : i32
    scf.for %scan3A_242 = %scan3A_37 to %scan3A_39 step %scan3A_40  : i32 {
      %mul3A_243 = arith.constant 16 : i32
      %mul3A_244 = arith.muli %scan3A_242, %mul3A_243 : i32
      %get3A = arith.index_cast %mul3A_244 : i32 to index
      %get3A_245 = tpu.vector_load %arg8[%get3A] {strides = array<i32>} : memref<1600xi32, #tpu.memory_space<vmem>>, vector<16xi32>,
      %get3A_246 = vector.shape_cast %get3A_245 : vector<16xi32> to vector<16xi32>
      %add3A_247 = arith.constant 300000 : i32
      %add3A_248 = vector.broadcast %add3A_247 : i32 to vector<16xi32>
      %add3A_249 = arith.addi %get3A_246, %add3A_248 : vector<16xi32>
      %mul3A_250 = arith.constant 16 : i32
      %mul3A_251 = arith.muli %scan3A_242, %mul3A_250 : i32
      %swap3A = arith.index_cast %mul3A_251 : i32 to index
      %swap3A_252 = tpu.vector_load %arg8[%swap3A] {strides = array<i32>} : memref<1600xi32, #tpu.memory_space<vmem>>, vector<16xi32>,
      %swap3A_253 = vector.shape_cast %swap3A_252 : vector<16xi32> to vector<16xi32>
      %swap3A_254 = vector.shape_cast %add3A_249 : vector<16xi32> to vector<16xi32>
      tpu.vector_store %arg8[%swap3A], %swap3A_254 {strides = array<i32>} : memref<1600xi32, #tpu.memory_space<vmem>>, vector<16xi32>,
    }
    %scan3A_41 = arith.constant 100 : i32
    %dma_start3A_42 = arith.constant 0 : i32
    %dma_start3A_43 = tpu.memref_slice %arg5[%dma_start3A_42] : memref<1600xi32, #tpu.memory_space<vmem>> -> memref<400xi32, #tpu.memory_space<vmem>>
    %dma_start3A_44 = arith.constant 0 : i32
    %dma_start3A_45 = arith.constant 0 : i32
    %dma_start3A_46 = tpu.memref_slice %arg3[%dma_start3A_44, %dma_start3A_45] : memref<400000x64xf32, #tpu.memory_space<hbm>> -> memref<400000x64xf32, #tpu.memory_space<hbm>>
    tpu.enqueue_indirect_dma source(%dma_start3A_46 : memref<400000x64xf32, #tpu.memory_space<hbm>>) target(%arg9 : memref<400x64xf32, #tpu.memory_space<vmem>>) offsets(%dma_start3A_43 : memref<400xi32, #tpu.memory_space<vmem>>) semaphore(%arg14 : memref<!tpu.dma_semaphore, #tpu.memory_space<semaphore_mem>>)
    %dma_start3A_47 = arith.constant 400 : i32
    %dma_start3A_48 = tpu.memref_slice %arg5[%dma_start3A_47] : memref<1600xi32, #tpu.memory_space<vmem>> -> memref<400xi32, #tpu.memory_space<vmem>>
    %dma_start3A_49 = arith.constant 0 : i32
    %dma_start3A_50 = arith.constant 0 : i32
    %dma_start3A_51 = tpu.memref_slice %arg3[%dma_start3A_49, %dma_start3A_50] : memref<400000x64xf32, #tpu.memory_space<hbm>> -> memref<400000x64xf32, #tpu.memory_space<hbm>>
    tpu.enqueue_indirect_dma source(%dma_start3A_51 : memref<400000x64xf32, #tpu.memory_space<hbm>>) target(%arg10 : memref<400x64xf32, #tpu.memory_space<vmem>>) offsets(%dma_start3A_48 : memref<400xi32, #tpu.memory_space<vmem>>) semaphore(%arg15 : memref<!tpu.dma_semaphore, #tpu.memory_space<semaphore_mem>>)
    %dma_start3A_52 = arith.constant 800 : i32
    %dma_start3A_53 = tpu.memref_slice %arg5[%dma_start3A_52] : memref<1600xi32, #tpu.memory_space<vmem>> -> memref<400xi32, #tpu.memory_space<vmem>>
    %dma_start3A_54 = arith.constant 0 : i32
    %dma_start3A_55 = arith.constant 0 : i32
    %dma_start3A_56 = tpu.memref_slice %arg3[%dma_start3A_54, %dma_start3A_55] : memref<400000x64xf32, #tpu.memory_space<hbm>> -> memref<400000x64xf32, #tpu.memory_space<hbm>>
    tpu.enqueue_indirect_dma source(%dma_start3A_56 : memref<400000x64xf32, #tpu.memory_space<hbm>>) target(%arg11 : memref<400x64xf32, #tpu.memory_space<vmem>>) offsets(%dma_start3A_53 : memref<400xi32, #tpu.memory_space<vmem>>) semaphore(%arg16 : memref<!tpu.dma_semaphore, #tpu.memory_space<semaphore_mem>>)
    %dma_start3A_57 = arith.constant 1200 : i32
    %dma_start3A_58 = tpu.memref_slice %arg5[%dma_start3A_57] : memref<1600xi32, #tpu.memory_space<vmem>> -> memref<400xi32, #tpu.memory_space<vmem>>
    %dma_start3A_59 = arith.constant 0 : i32
    %dma_start3A_60 = arith.constant 0 : i32
    %dma_start3A_61 = tpu.memref_slice %arg3[%dma_start3A_59, %dma_start3A_60] : memref<400000x64xf32, #tpu.memory_space<hbm>> -> memref<400000x64xf32, #tpu.memory_space<hbm>>
    tpu.enqueue_indirect_dma source(%dma_start3A_61 : memref<400000x64xf32, #tpu.memory_space<hbm>>) target(%arg12 : memref<400x64xf32, #tpu.memory_space<vmem>>) offsets(%dma_start3A_58 : memref<400xi32, #tpu.memory_space<vmem>>) semaphore(%arg17 : memref<!tpu.dma_semaphore, #tpu.memory_space<semaphore_mem>>)
    %dma_wait3A_62 = arith.constant 0 : i32
    %dma_wait3A_63 = tpu.memref_slice %arg5[%dma_wait3A_62] : memref<1600xi32, #tpu.memory_space<vmem>> -> memref<400xi32, #tpu.memory_space<vmem>>
    %dma_wait3A_64 = arith.constant 0 : i32
    %dma_wait3A_65 = arith.constant 0 : i32
    %dma_wait3A_66 = tpu.memref_slice %arg3[%dma_wait3A_64, %dma_wait3A_65] : memref<400000x64xf32, #tpu.memory_space<hbm>> -> memref<400000x64xf32, #tpu.memory_space<hbm>>
    tpu.wait_indirect_dma semaphore(%arg14 : memref<!tpu.dma_semaphore, #tpu.memory_space<semaphore_mem>>) src(%dma_wait3A_66 : memref<400000x64xf32, #tpu.memory_space<hbm>>) dst(%arg9 : memref<400x64xf32, #tpu.memory_space<vmem>>)
    %dma_start3A_67 = arith.constant 0 : i32
    %dma_start3A_68 = tpu.memref_slice %arg6[%dma_start3A_67] : memref<1600xi32, #tpu.memory_space<vmem>> -> memref<400xi32, #tpu.memory_space<vmem>>
    %dma_start3A_69 = arith.constant 0 : i32
    %dma_start3A_70 = arith.constant 0 : i32
    %dma_start3A_71 = tpu.memref_slice %arg3[%dma_start3A_69, %dma_start3A_70] : memref<400000x64xf32, #tpu.memory_space<hbm>> -> memref<400000x64xf32, #tpu.memory_space<hbm>>
    tpu.enqueue_indirect_dma source(%dma_start3A_71 : memref<400000x64xf32, #tpu.memory_space<hbm>>) target(%arg9 : memref<400x64xf32, #tpu.memory_space<vmem>>) offsets(%dma_start3A_68 : memref<400xi32, #tpu.memory_space<vmem>>) semaphore(%arg18 : memref<!tpu.dma_semaphore, #tpu.memory_space<semaphore_mem>>) {add = true}
    %dma_start3A_72 = arith.constant 0 : i32
    %dma_start3A_73 = tpu.memref_slice %arg7[%dma_start3A_72] : memref<1600xi32, #tpu.memory_space<vmem>> -> memref<400xi32, #tpu.memory_space<vmem>>
    %dma_start3A_74 = arith.constant 0 : i32
    %dma_start3A_75 = arith.constant 0 : i32
    %dma_start3A_76 = tpu.memref_slice %arg3[%dma_start3A_74, %dma_start3A_75] : memref<400000x64xf32, #tpu.memory_space<hbm>> -> memref<400000x64xf32, #tpu.memory_space<hbm>>
    tpu.enqueue_indirect_dma source(%dma_start3A_76 : memref<400000x64xf32, #tpu.memory_space<hbm>>) target(%arg9 : memref<400x64xf32, #tpu.memory_space<vmem>>) offsets(%dma_start3A_73 : memref<400xi32, #tpu.memory_space<vmem>>) semaphore(%arg18 : memref<!tpu.dma_semaphore, #tpu.memory_space<semaphore_mem>>) {add = true}
    %dma_start3A_77 = arith.constant 0 : i32
    %dma_start3A_78 = tpu.memref_slice %arg8[%dma_start3A_77] : memref<1600xi32, #tpu.memory_space<vmem>> -> memref<400xi32, #tpu.memory_space<vmem>>
    %dma_start3A_79 = arith.constant 0 : i32
    %dma_start3A_80 = arith.constant 0 : i32
    %dma_start3A_81 = tpu.memref_slice %arg3[%dma_start3A_79, %dma_start3A_80] : memref<400000x64xf32, #tpu.memory_space<hbm>> -> memref<400000x64xf32, #tpu.memory_space<hbm>>
    tpu.enqueue_indirect_dma source(%dma_start3A_81 : memref<400000x64xf32, #tpu.memory_space<hbm>>) target(%arg9 : memref<400x64xf32, #tpu.memory_space<vmem>>) offsets(%dma_start3A_78 : memref<400xi32, #tpu.memory_space<vmem>>) semaphore(%arg18 : memref<!tpu.dma_semaphore, #tpu.memory_space<semaphore_mem>>) {add = true}
    %dma_wait3A_82 = arith.constant 400 : i32
    %dma_wait3A_83 = tpu.memref_slice %arg5[%dma_wait3A_82] : memref<1600xi32, #tpu.memory_space<vmem>> -> memref<400xi32, #tpu.memory_space<vmem>>
    %dma_wait3A_84 = arith.constant 0 : i32
    %dma_wait3A_85 = arith.constant 0 : i32
    %dma_wait3A_86 = tpu.memref_slice %arg3[%dma_wait3A_84, %dma_wait3A_85] : memref<400000x64xf32, #tpu.memory_space<hbm>> -> memref<400000x64xf32, #tpu.memory_space<hbm>>
    tpu.wait_indirect_dma semaphore(%arg15 : memref<!tpu.dma_semaphore, #tpu.memory_space<semaphore_mem>>) src(%dma_wait3A_86 : memref<400000x64xf32, #tpu.memory_space<hbm>>) dst(%arg10 : memref<400x64xf32, #tpu.memory_space<vmem>>)
    %dma_start3A_87 = arith.constant 400 : i32
    %dma_start3A_88 = tpu.memref_slice %arg6[%dma_start3A_87] : memref<1600xi32, #tpu.memory_space<vmem>> -> memref<400xi32, #tpu.memory_space<vmem>>
    %dma_start3A_89 = arith.constant 0 : i32
    %dma_start3A_90 = arith.constant 0 : i32
    %dma_start3A_91 = tpu.memref_slice %arg3[%dma_start3A_89, %dma_start3A_90] : memref<400000x64xf32, #tpu.memory_space<hbm>> -> memref<400000x64xf32, #tpu.memory_space<hbm>>
    tpu.enqueue_indirect_dma source(%dma_start3A_91 : memref<400000x64xf32, #tpu.memory_space<hbm>>) target(%arg10 : memref<400x64xf32, #tpu.memory_space<vmem>>) offsets(%dma_start3A_88 : memref<400xi32, #tpu.memory_space<vmem>>) semaphore(%arg19 : memref<!tpu.dma_semaphore, #tpu.memory_space<semaphore_mem>>) {add = true}
    %dma_start3A_92 = arith.constant 400 : i32
    %dma_start3A_93 = tpu.memref_slice %arg7[%dma_start3A_92] : memref<1600xi32, #tpu.memory_space<vmem>> -> memref<400xi32, #tpu.memory_space<vmem>>
    %dma_start3A_94 = arith.constant 0 : i32
    %dma_start3A_95 = arith.constant 0 : i32
    %dma_start3A_96 = tpu.memref_slice %arg3[%dma_start3A_94, %dma_start3A_95] : memref<400000x64xf32, #tpu.memory_space<hbm>> -> memref<400000x64xf32, #tpu.memory_space<hbm>>
    tpu.enqueue_indirect_dma source(%dma_start3A_96 : memref<400000x64xf32, #tpu.memory_space<hbm>>) target(%arg10 : memref<400x64xf32, #tpu.memory_space<vmem>>) offsets(%dma_start3A_93 : memref<400xi32, #tpu.memory_space<vmem>>) semaphore(%arg19 : memref<!tpu.dma_semaphore, #tpu.memory_space<semaphore_mem>>) {add = true}
    %dma_start3A_97 = arith.constant 400 : i32
    %dma_start3A_98 = tpu.memref_slice %arg8[%dma_start3A_97] : memref<1600xi32, #tpu.memory_space<vmem>> -> memref<400xi32, #tpu.memory_space<vmem>>
    %dma_start3A_99 = arith.constant 0 : i32
    %dma_start3A_100 = arith.constant 0 : i32
    %dma_start3A_101 = tpu.memref_slice %arg3[%dma_start3A_99, %dma_start3A_100] : memref<400000x64xf32, #tpu.memory_space<hbm>> -> memref<400000x64xf32, #tpu.memory_space<hbm>>
    tpu.enqueue_indirect_dma source(%dma_start3A_101 : memref<400000x64xf32, #tpu.memory_space<hbm>>) target(%arg10 : memref<400x64xf32, #tpu.memory_space<vmem>>) offsets(%dma_start3A_98 : memref<400xi32, #tpu.memory_space<vmem>>) semaphore(%arg19 : memref<!tpu.dma_semaphore, #tpu.memory_space<semaphore_mem>>) {add = true}
    %dma_wait3A_102 = arith.constant 800 : i32
    %dma_wait3A_103 = tpu.memref_slice %arg5[%dma_wait3A_102] : memref<1600xi32, #tpu.memory_space<vmem>> -> memref<400xi32, #tpu.memory_space<vmem>>
    %dma_wait3A_104 = arith.constant 0 : i32
    %dma_wait3A_105 = arith.constant 0 : i32
    %dma_wait3A_106 = tpu.memref_slice %arg3[%dma_wait3A_104, %dma_wait3A_105] : memref<400000x64xf32, #tpu.memory_space<hbm>> -> memref<400000x64xf32, #tpu.memory_space<hbm>>
    tpu.wait_indirect_dma semaphore(%arg16 : memref<!tpu.dma_semaphore, #tpu.memory_space<semaphore_mem>>) src(%dma_wait3A_106 : memref<400000x64xf32, #tpu.memory_space<hbm>>) dst(%arg11 : memref<400x64xf32, #tpu.memory_space<vmem>>)
    %dma_start3A_107 = arith.constant 800 : i32
    %dma_start3A_108 = tpu.memref_slice %arg6[%dma_start3A_107] : memref<1600xi32, #tpu.memory_space<vmem>> -> memref<400xi32, #tpu.memory_space<vmem>>
    %dma_start3A_109 = arith.constant 0 : i32
    %dma_start3A_110 = arith.constant 0 : i32
    %dma_start3A_111 = tpu.memref_slice %arg3[%dma_start3A_109, %dma_start3A_110] : memref<400000x64xf32, #tpu.memory_space<hbm>> -> memref<400000x64xf32, #tpu.memory_space<hbm>>
    tpu.enqueue_indirect_dma source(%dma_start3A_111 : memref<400000x64xf32, #tpu.memory_space<hbm>>) target(%arg11 : memref<400x64xf32, #tpu.memory_space<vmem>>) offsets(%dma_start3A_108 : memref<400xi32, #tpu.memory_space<vmem>>) semaphore(%arg20 : memref<!tpu.dma_semaphore, #tpu.memory_space<semaphore_mem>>) {add = true}
    %dma_start3A_112 = arith.constant 800 : i32
    %dma_start3A_113 = tpu.memref_slice %arg7[%dma_start3A_112] : memref<1600xi32, #tpu.memory_space<vmem>> -> memref<400xi32, #tpu.memory_space<vmem>>
    %dma_start3A_114 = arith.constant 0 : i32
    %dma_start3A_115 = arith.constant 0 : i32
    %dma_start3A_116 = tpu.memref_slice %arg3[%dma_start3A_114, %dma_start3A_115] : memref<400000x64xf32, #tpu.memory_space<hbm>> -> memref<400000x64xf32, #tpu.memory_space<hbm>>
    tpu.enqueue_indirect_dma source(%dma_start3A_116 : memref<400000x64xf32, #tpu.memory_space<hbm>>) target(%arg11 : memref<400x64xf32, #tpu.memory_space<vmem>>) offsets(%dma_start3A_113 : memref<400xi32, #tpu.memory_space<vmem>>) semaphore(%arg20 : memref<!tpu.dma_semaphore, #tpu.memory_space<semaphore_mem>>) {add = true}
    %dma_start3A_117 = arith.constant 800 : i32
    %dma_start3A_118 = tpu.memref_slice %arg8[%dma_start3A_117] : memref<1600xi32, #tpu.memory_space<vmem>> -> memref<400xi32, #tpu.memory_space<vmem>>
    %dma_start3A_119 = arith.constant 0 : i32
    %dma_start3A_120 = arith.constant 0 : i32
    %dma_start3A_121 = tpu.memref_slice %arg3[%dma_start3A_119, %dma_start3A_120] : memref<400000x64xf32, #tpu.memory_space<hbm>> -> memref<400000x64xf32, #tpu.memory_space<hbm>>
    tpu.enqueue_indirect_dma source(%dma_start3A_121 : memref<400000x64xf32, #tpu.memory_space<hbm>>) target(%arg11 : memref<400x64xf32, #tpu.memory_space<vmem>>) offsets(%dma_start3A_118 : memref<400xi32, #tpu.memory_space<vmem>>) semaphore(%arg20 : memref<!tpu.dma_semaphore, #tpu.memory_space<semaphore_mem>>) {add = true}
    %dma_wait3A_122 = arith.constant 1200 : i32
    %dma_wait3A_123 = tpu.memref_slice %arg5[%dma_wait3A_122] : memref<1600xi32, #tpu.memory_space<vmem>> -> memref<400xi32, #tpu.memory_space<vmem>>
    %dma_wait3A_124 = arith.constant 0 : i32
    %dma_wait3A_125 = arith.constant 0 : i32
    %dma_wait3A_126 = tpu.memref_slice %arg3[%dma_wait3A_124, %dma_wait3A_125] : memref<400000x64xf32, #tpu.memory_space<hbm>> -> memref<400000x64xf32, #tpu.memory_space<hbm>>
    tpu.wait_indirect_dma semaphore(%arg17 : memref<!tpu.dma_semaphore, #tpu.memory_space<semaphore_mem>>) src(%dma_wait3A_126 : memref<400000x64xf32, #tpu.memory_space<hbm>>) dst(%arg12 : memref<400x64xf32, #tpu.memory_space<vmem>>)
    %dma_start3A_127 = arith.constant 1200 : i32
    %dma_start3A_128 = tpu.memref_slice %arg6[%dma_start3A_127] : memref<1600xi32, #tpu.memory_space<vmem>> -> memref<400xi32, #tpu.memory_space<vmem>>
    %dma_start3A_129 = arith.constant 0 : i32
    %dma_start3A_130 = arith.constant 0 : i32
    %dma_start3A_131 = tpu.memref_slice %arg3[%dma_start3A_129, %dma_start3A_130] : memref<400000x64xf32, #tpu.memory_space<hbm>> -> memref<400000x64xf32, #tpu.memory_space<hbm>>
    tpu.enqueue_indirect_dma source(%dma_start3A_131 : memref<400000x64xf32, #tpu.memory_space<hbm>>) target(%arg12 : memref<400x64xf32, #tpu.memory_space<vmem>>) offsets(%dma_start3A_128 : memref<400xi32, #tpu.memory_space<vmem>>) semaphore(%arg21 : memref<!tpu.dma_semaphore, #tpu.memory_space<semaphore_mem>>) {add = true}
    %dma_start3A_132 = arith.constant 1200 : i32
    %dma_start3A_133 = tpu.memref_slice %arg7[%dma_start3A_132] : memref<1600xi32, #tpu.memory_space<vmem>> -> memref<400xi32, #tpu.memory_space<vmem>>
    %dma_start3A_134 = arith.constant 0 : i32
    %dma_start3A_135 = arith.constant 0 : i32
    %dma_start3A_136 = tpu.memref_slice %arg3[%dma_start3A_134, %dma_start3A_135] : memref<400000x64xf32, #tpu.memory_space<hbm>> -> memref<400000x64xf32, #tpu.memory_space<hbm>>
    tpu.enqueue_indirect_dma source(%dma_start3A_136 : memref<400000x64xf32, #tpu.memory_space<hbm>>) target(%arg12 : memref<400x64xf32, #tpu.memory_space<vmem>>) offsets(%dma_start3A_133 : memref<400xi32, #tpu.memory_space<vmem>>) semaphore(%arg21 : memref<!tpu.dma_semaphore, #tpu.memory_space<semaphore_mem>>) {add = true}
    %dma_start3A_137 = arith.constant 1200 : i32
    %dma_start3A_138 = tpu.memref_slice %arg8[%dma_start3A_137] : memref<1600xi32, #tpu.memory_space<vmem>> -> memref<400xi32, #tpu.memory_space<vmem>>
    %dma_start3A_139 = arith.constant 0 : i32
    %dma_start3A_140 = arith.constant 0 : i32
    %dma_start3A_141 = tpu.memref_slice %arg3[%dma_start3A_139, %dma_start3A_140] : memref<400000x64xf32, #tpu.memory_space<hbm>> -> memref<400000x64xf32, #tpu.memory_space<hbm>>
    tpu.enqueue_indirect_dma source(%dma_start3A_141 : memref<400000x64xf32, #tpu.memory_space<hbm>>) target(%arg12 : memref<400x64xf32, #tpu.memory_space<vmem>>) offsets(%dma_start3A_138 : memref<400xi32, #tpu.memory_space<vmem>>) semaphore(%arg21 : memref<!tpu.dma_semaphore, #tpu.memory_space<semaphore_mem>>) {add = true}
    %dma_wait3A_142 = arith.constant 0 : i32
    %dma_wait3A_143 = tpu.memref_slice %arg6[%dma_wait3A_142] : memref<1600xi32, #tpu.memory_space<vmem>> -> memref<400xi32, #tpu.memory_space<vmem>>
    %dma_wait3A_144 = arith.constant 0 : i32
    %dma_wait3A_145 = arith.constant 0 : i32
    %dma_wait3A_146 = tpu.memref_slice %arg3[%dma_wait3A_144, %dma_wait3A_145] : memref<400000x64xf32, #tpu.memory_space<hbm>> -> memref<400000x64xf32, #tpu.memory_space<hbm>>
    tpu.wait_indirect_dma semaphore(%arg18 : memref<!tpu.dma_semaphore, #tpu.memory_space<semaphore_mem>>) src(%dma_wait3A_146 : memref<400000x64xf32, #tpu.memory_space<hbm>>) dst(%arg9 : memref<400x64xf32, #tpu.memory_space<vmem>>)
    %dma_wait3A_147 = arith.constant 0 : i32
    %dma_wait3A_148 = tpu.memref_slice %arg7[%dma_wait3A_147] : memref<1600xi32, #tpu.memory_space<vmem>> -> memref<400xi32, #tpu.memory_space<vmem>>
    %dma_wait3A_149 = arith.constant 0 : i32
    %dma_wait3A_150 = arith.constant 0 : i32
    %dma_wait3A_151 = tpu.memref_slice %arg3[%dma_wait3A_149, %dma_wait3A_150] : memref<400000x64xf32, #tpu.memory_space<hbm>> -> memref<400000x64xf32, #tpu.memory_space<hbm>>
    tpu.wait_indirect_dma semaphore(%arg18 : memref<!tpu.dma_semaphore, #tpu.memory_space<semaphore_mem>>) src(%dma_wait3A_151 : memref<400000x64xf32, #tpu.memory_space<hbm>>) dst(%arg9 : memref<400x64xf32, #tpu.memory_space<vmem>>)
    %dma_wait3A_152 = arith.constant 0 : i32
    %dma_wait3A_153 = tpu.memref_slice %arg8[%dma_wait3A_152] : memref<1600xi32, #tpu.memory_space<vmem>> -> memref<400xi32, #tpu.memory_space<vmem>>
    %dma_wait3A_154 = arith.constant 0 : i32
    %dma_wait3A_155 = arith.constant 0 : i32
    %dma_wait3A_156 = tpu.memref_slice %arg3[%dma_wait3A_154, %dma_wait3A_155] : memref<400000x64xf32, #tpu.memory_space<hbm>> -> memref<400000x64xf32, #tpu.memory_space<hbm>>
    tpu.wait_indirect_dma semaphore(%arg18 : memref<!tpu.dma_semaphore, #tpu.memory_space<semaphore_mem>>) src(%dma_wait3A_156 : memref<400000x64xf32, #tpu.memory_space<hbm>>) dst(%arg9 : memref<400x64xf32, #tpu.memory_space<vmem>>)
    %add3A_157 = arith.constant 0 : i32
    %add3A_158 = arith.addi %mul3A_2, %add3A_157 : i32
    %dma_start3A_159 = arith.constant 0 : i32
    %dma_start3A_160 = tpu.memref_slice %arg4[%add3A_158, %dma_start3A_159] : memref<51200x64xf32, #tpu.memory_space<hbm>> -> memref<400x64xf32, #tpu.memory_space<hbm>>
    %dma_start3A_161 = arith.constant 0 : i32
    %dma_start3A_162 = tpu.memref_slice %arg4[%add3A_158, %dma_start3A_161] : memref<51200x64xf32, #tpu.memory_space<hbm>> -> memref<400x64xf32, #tpu.memory_space<hbm>>
    tpu.enqueue_dma source(%arg9 : memref<400x64xf32, #tpu.memory_space<vmem>>) target(%dma_start3A_162 : memref<400x64xf32, #tpu.memory_space<hbm>>) target_semaphore(%arg22 : memref<!tpu.dma_semaphore, #tpu.memory_space<semaphore_mem>>)
    %dma_wait3A_163 = arith.constant 400 : i32
    %dma_wait3A_164 = tpu.memref_slice %arg6[%dma_wait3A_163] : memref<1600xi32, #tpu.memory_space<vmem>> -> memref<400xi32, #tpu.memory_space<vmem>>
    %dma_wait3A_165 = arith.constant 0 : i32
    %dma_wait3A_166 = arith.constant 0 : i32
    %dma_wait3A_167 = tpu.memref_slice %arg3[%dma_wait3A_165, %dma_wait3A_166] : memref<400000x64xf32, #tpu.memory_space<hbm>> -> memref<400000x64xf32, #tpu.memory_space<hbm>>
    tpu.wait_indirect_dma semaphore(%arg19 : memref<!tpu.dma_semaphore, #tpu.memory_space<semaphore_mem>>) src(%dma_wait3A_167 : memref<400000x64xf32, #tpu.memory_space<hbm>>) dst(%arg10 : memref<400x64xf32, #tpu.memory_space<vmem>>)
    %dma_wait3A_168 = arith.constant 400 : i32
    %dma_wait3A_169 = tpu.memref_slice %arg7[%dma_wait3A_168] : memref<1600xi32, #tpu.memory_space<vmem>> -> memref<400xi32, #tpu.memory_space<vmem>>
    %dma_wait3A_170 = arith.constant 0 : i32
    %dma_wait3A_171 = arith.constant 0 : i32
    %dma_wait3A_172 = tpu.memref_slice %arg3[%dma_wait3A_170, %dma_wait3A_171] : memref<400000x64xf32, #tpu.memory_space<hbm>> -> memref<400000x64xf32, #tpu.memory_space<hbm>>
    tpu.wait_indirect_dma semaphore(%arg19 : memref<!tpu.dma_semaphore, #tpu.memory_space<semaphore_mem>>) src(%dma_wait3A_172 : memref<400000x64xf32, #tpu.memory_space<hbm>>) dst(%arg10 : memref<400x64xf32, #tpu.memory_space<vmem>>)
    %dma_wait3A_173 = arith.constant 400 : i32
    %dma_wait3A_174 = tpu.memref_slice %arg8[%dma_wait3A_173] : memref<1600xi32, #tpu.memory_space<vmem>> -> memref<400xi32, #tpu.memory_space<vmem>>
    %dma_wait3A_175 = arith.constant 0 : i32
    %dma_wait3A_176 = arith.constant 0 : i32
    %dma_wait3A_177 = tpu.memref_slice %arg3[%dma_wait3A_175, %dma_wait3A_176] : memref<400000x64xf32, #tpu.memory_space<hbm>> -> memref<400000x64xf32, #tpu.memory_space<hbm>>
    tpu.wait_indirect_dma semaphore(%arg19 : memref<!tpu.dma_semaphore, #tpu.memory_space<semaphore_mem>>) src(%dma_wait3A_177 : memref<400000x64xf32, #tpu.memory_space<hbm>>) dst(%arg10 : memref<400x64xf32, #tpu.memory_space<vmem>>)
    %add3A_178 = arith.constant 400 : i32
    %add3A_179 = arith.addi %mul3A_2, %add3A_178 : i32
    %dma_start3A_180 = arith.constant 0 : i32
    %dma_start3A_181 = tpu.memref_slice %arg4[%add3A_179, %dma_start3A_180] : memref<51200x64xf32, #tpu.memory_space<hbm>> -> memref<400x64xf32, #tpu.memory_space<hbm>>
    %dma_start3A_182 = arith.constant 0 : i32
    %dma_start3A_183 = tpu.memref_slice %arg4[%add3A_179, %dma_start3A_182] : memref<51200x64xf32, #tpu.memory_space<hbm>> -> memref<400x64xf32, #tpu.memory_space<hbm>>
    tpu.enqueue_dma source(%arg10 : memref<400x64xf32, #tpu.memory_space<vmem>>) target(%dma_start3A_183 : memref<400x64xf32, #tpu.memory_space<hbm>>) target_semaphore(%arg23 : memref<!tpu.dma_semaphore, #tpu.memory_space<semaphore_mem>>)
    %dma_wait3A_184 = arith.constant 800 : i32
    %dma_wait3A_185 = tpu.memref_slice %arg6[%dma_wait3A_184] : memref<1600xi32, #tpu.memory_space<vmem>> -> memref<400xi32, #tpu.memory_space<vmem>>
    %dma_wait3A_186 = arith.constant 0 : i32
    %dma_wait3A_187 = arith.constant 0 : i32
    %dma_wait3A_188 = tpu.memref_slice %arg3[%dma_wait3A_186, %dma_wait3A_187] : memref<400000x64xf32, #tpu.memory_space<hbm>> -> memref<400000x64xf32, #tpu.memory_space<hbm>>
    tpu.wait_indirect_dma semaphore(%arg20 : memref<!tpu.dma_semaphore, #tpu.memory_space<semaphore_mem>>) src(%dma_wait3A_188 : memref<400000x64xf32, #tpu.memory_space<hbm>>) dst(%arg11 : memref<400x64xf32, #tpu.memory_space<vmem>>)
    %dma_wait3A_189 = arith.constant 800 : i32
    %dma_wait3A_190 = tpu.memref_slice %arg7[%dma_wait3A_189] : memref<1600xi32, #tpu.memory_space<vmem>> -> memref<400xi32, #tpu.memory_space<vmem>>
    %dma_wait3A_191 = arith.constant 0 : i32
    %dma_wait3A_192 = arith.constant 0 : i32
    %dma_wait3A_193 = tpu.memref_slice %arg3[%dma_wait3A_191, %dma_wait3A_192] : memref<400000x64xf32, #tpu.memory_space<hbm>> -> memref<400000x64xf32, #tpu.memory_space<hbm>>
    tpu.wait_indirect_dma semaphore(%arg20 : memref<!tpu.dma_semaphore, #tpu.memory_space<semaphore_mem>>) src(%dma_wait3A_193 : memref<400000x64xf32, #tpu.memory_space<hbm>>) dst(%arg11 : memref<400x64xf32, #tpu.memory_space<vmem>>)
    %dma_wait3A_194 = arith.constant 800 : i32
    %dma_wait3A_195 = tpu.memref_slice %arg8[%dma_wait3A_194] : memref<1600xi32, #tpu.memory_space<vmem>> -> memref<400xi32, #tpu.memory_space<vmem>>
    %dma_wait3A_196 = arith.constant 0 : i32
    %dma_wait3A_197 = arith.constant 0 : i32
    %dma_wait3A_198 = tpu.memref_slice %arg3[%dma_wait3A_196, %dma_wait3A_197] : memref<400000x64xf32, #tpu.memory_space<hbm>> -> memref<400000x64xf32, #tpu.memory_space<hbm>>
    tpu.wait_indirect_dma semaphore(%arg20 : memref<!tpu.dma_semaphore, #tpu.memory_space<semaphore_mem>>) src(%dma_wait3A_198 : memref<400000x64xf32, #tpu.memory_space<hbm>>) dst(%arg11 : memref<400x64xf32, #tpu.memory_space<vmem>>)
    %add3A_199 = arith.constant 800 : i32
    %add3A_200 = arith.addi %mul3A_2, %add3A_199 : i32
    %dma_start3A_201 = arith.constant 0 : i32
    %dma_start3A_202 = tpu.memref_slice %arg4[%add3A_200, %dma_start3A_201] : memref<51200x64xf32, #tpu.memory_space<hbm>> -> memref<400x64xf32, #tpu.memory_space<hbm>>
    %dma_start3A_203 = arith.constant 0 : i32
    %dma_start3A_204 = tpu.memref_slice %arg4[%add3A_200, %dma_start3A_203] : memref<51200x64xf32, #tpu.memory_space<hbm>> -> memref<400x64xf32, #tpu.memory_space<hbm>>
    tpu.enqueue_dma source(%arg11 : memref<400x64xf32, #tpu.memory_space<vmem>>) target(%dma_start3A_204 : memref<400x64xf32, #tpu.memory_space<hbm>>) target_semaphore(%arg24 : memref<!tpu.dma_semaphore, #tpu.memory_space<semaphore_mem>>)
    %dma_wait3A_205 = arith.constant 1200 : i32
    %dma_wait3A_206 = tpu.memref_slice %arg6[%dma_wait3A_205] : memref<1600xi32, #tpu.memory_space<vmem>> -> memref<400xi32, #tpu.memory_space<vmem>>
    %dma_wait3A_207 = arith.constant 0 : i32
    %dma_wait3A_208 = arith.constant 0 : i32
    %dma_wait3A_209 = tpu.memref_slice %arg3[%dma_wait3A_207, %dma_wait3A_208] : memref<400000x64xf32, #tpu.memory_space<hbm>> -> memref<400000x64xf32, #tpu.memory_space<hbm>>
    tpu.wait_indirect_dma semaphore(%arg21 : memref<!tpu.dma_semaphore, #tpu.memory_space<semaphore_mem>>) src(%dma_wait3A_209 : memref<400000x64xf32, #tpu.memory_space<hbm>>) dst(%arg12 : memref<400x64xf32, #tpu.memory_space<vmem>>)
    %dma_wait3A_210 = arith.constant 1200 : i32
    %dma_wait3A_211 = tpu.memref_slice %arg7[%dma_wait3A_210] : memref<1600xi32, #tpu.memory_space<vmem>> -> memref<400xi32, #tpu.memory_space<vmem>>
    %dma_wait3A_212 = arith.constant 0 : i32
    %dma_wait3A_213 = arith.constant 0 : i32
    %dma_wait3A_214 = tpu.memref_slice %arg3[%dma_wait3A_212, %dma_wait3A_213] : memref<400000x64xf32, #tpu.memory_space<hbm>> -> memref<400000x64xf32, #tpu.memory_space<hbm>>
    tpu.wait_indirect_dma semaphore(%arg21 : memref<!tpu.dma_semaphore, #tpu.memory_space<semaphore_mem>>) src(%dma_wait3A_214 : memref<400000x64xf32, #tpu.memory_space<hbm>>) dst(%arg12 : memref<400x64xf32, #tpu.memory_space<vmem>>)
    %dma_wait3A_215 = arith.constant 1200 : i32
    %dma_wait3A_216 = tpu.memref_slice %arg8[%dma_wait3A_215] : memref<1600xi32, #tpu.memory_space<vmem>> -> memref<400xi32, #tpu.memory_space<vmem>>
    %dma_wait3A_217 = arith.constant 0 : i32
    %dma_wait3A_218 = arith.constant 0 : i32
    %dma_wait3A_219 = tpu.memref_slice %arg3[%dma_wait3A_217, %dma_wait3A_218] : memref<400000x64xf32, #tpu.memory_space<hbm>> -> memref<400000x64xf32, #tpu.memory_space<hbm>>
    tpu.wait_indirect_dma semaphore(%arg21 : memref<!tpu.dma_semaphore, #tpu.memory_space<semaphore_mem>>) src(%dma_wait3A_219 : memref<400000x64xf32, #tpu.memory_space<hbm>>) dst(%arg12 : memref<400x64xf32, #tpu.memory_space<vmem>>)
    %add3A_220 = arith.constant 1200 : i32
    %add3A_221 = arith.addi %mul3A_2, %add3A_220 : i32
    %dma_start3A_222 = arith.constant 0 : i32
    %dma_start3A_223 = tpu.memref_slice %arg4[%add3A_221, %dma_start3A_222] : memref<51200x64xf32, #tpu.memory_space<hbm>> -> memref<400x64xf32, #tpu.memory_space<hbm>>
    %dma_start3A_224 = arith.constant 0 : i32
    %dma_start3A_225 = tpu.memref_slice %arg4[%add3A_221, %dma_start3A_224] : memref<51200x64xf32, #tpu.memory_space<hbm>> -> memref<400x64xf32, #tpu.memory_space<hbm>>
    tpu.enqueue_dma source(%arg12 : memref<400x64xf32, #tpu.memory_space<vmem>>) target(%dma_start3A_225 : memref<400x64xf32, #tpu.memory_space<hbm>>) target_semaphore(%arg25 : memref<!tpu.dma_semaphore, #tpu.memory_space<semaphore_mem>>)
    %dma_wait3A_226 = arith.constant 0 : i32
    %dma_wait3A_227 = tpu.memref_slice %arg4[%add3A_158, %dma_wait3A_226] : memref<51200x64xf32, #tpu.memory_space<hbm>> -> memref<400x64xf32, #tpu.memory_space<hbm>>
    %dma_wait3A_228 = arith.constant 0 : i32
    %dma_wait3A_229 = tpu.memref_slice %arg4[%add3A_158, %dma_wait3A_228] : memref<51200x64xf32, #tpu.memory_space<hbm>> -> memref<400x64xf32, #tpu.memory_space<hbm>>
    tpu.wait_dma2 semaphore(%arg22 : memref<!tpu.dma_semaphore, #tpu.memory_space<semaphore_mem>>) src(%arg9 : memref<400x64xf32, #tpu.memory_space<vmem>>) dst(%dma_wait3A_229 : memref<400x64xf32, #tpu.memory_space<hbm>>)
    %dma_wait3A_230 = arith.constant 0 : i32
    %dma_wait3A_231 = tpu.memref_slice %arg4[%add3A_179, %dma_wait3A_230] : memref<51200x64xf32, #tpu.memory_space<hbm>> -> memref<400x64xf32, #tpu.memory_space<hbm>>
    %dma_wait3A_232 = arith.constant 0 : i32
    %dma_wait3A_233 = tpu.memref_slice %arg4[%add3A_179, %dma_wait3A_232] : memref<51200x64xf32, #tpu.memory_space<hbm>> -> memref<400x64xf32, #tpu.memory_space<hbm>>
    tpu.wait_dma2 semaphore(%arg23 : memref<!tpu.dma_semaphore, #tpu.memory_space<semaphore_mem>>) src(%arg10 : memref<400x64xf32, #tpu.memory_space<vmem>>) dst(%dma_wait3A_233 : memref<400x64xf32, #tpu.memory_space<hbm>>)
    %dma_wait3A_234 = arith.constant 0 : i32
    %dma_wait3A_235 = tpu.memref_slice %arg4[%add3A_200, %dma_wait3A_234] : memref<51200x64xf32, #tpu.memory_space<hbm>> -> memref<400x64xf32, #tpu.memory_space<hbm>>
    %dma_wait3A_236 = arith.constant 0 : i32
    %dma_wait3A_237 = tpu.memref_slice %arg4[%add3A_200, %dma_wait3A_236] : memref<51200x64xf32, #tpu.memory_space<hbm>> -> memref<400x64xf32, #tpu.memory_space<hbm>>
    tpu.wait_dma2 semaphore(%arg24 : memref<!tpu.dma_semaphore, #tpu.memory_space<semaphore_mem>>) src(%arg11 : memref<400x64xf32, #tpu.memory_space<vmem>>) dst(%dma_wait3A_237 : memref<400x64xf32, #tpu.memory_space<hbm>>)
    %dma_wait3A_238 = arith.constant 0 : i32
    %dma_wait3A_239 = tpu.memref_slice %arg4[%add3A_221, %dma_wait3A_238] : memref<51200x64xf32, #tpu.memory_space<hbm>> -> memref<400x64xf32, #tpu.memory_space<hbm>>
    %dma_wait3A_240 = arith.constant 0 : i32
    %dma_wait3A_241 = tpu.memref_slice %arg4[%add3A_221, %dma_wait3A_240] : memref<51200x64xf32, #tpu.memory_space<hbm>> -> memref<400x64xf32, #tpu.memory_space<hbm>>
    tpu.wait_dma2 semaphore(%arg25 : memref<!tpu.dma_semaphore, #tpu.memory_space<semaphore_mem>>) src(%arg12 : memref<400x64xf32, #tpu.memory_space<vmem>>) dst(%dma_wait3A_241 : memref<400x64xf32, #tpu.memory_space<hbm>>)
    return
  }
}

</mosaic_0001>

<sc_bundles>
// kernel: kernel.3.cloned.1.call-start
scs
__scs_entry_jumppad:
0x0: {  	(pc) =	sbr.rel $0x88, $3  }
0x1: {  	(tag) =	ssettag $0x0;
	lr =	simm.s32 $0x1  }
0x2: {  	[smem:$0x3F9F] =	sst lr;
	_ =	strace $0xD0000000  }
0x3: {  	_ = 	snop  }
0x4: {  	_ = 	snop  }
0x5: {  	_ = 	snop  }
0x6: {  	_ = 	snop  }
0x7: {  	_ = 	snop  }
__scs_overlays_trampoline_lowered:
0x8: {  	[smem:$0x3FAE] =	sst s0  }
0x9: {  	[smem:$0x3FAF] =	sst s1  }
0xa: {  	[smem:$0x3FB0] =	sst s2  }
0xb: {  	[smem:$0x3FB1] =	sst s3  }
0xc: {  	[smem:$0x3FB2] =	sst s4  }
0xd: {  	[smem:$0x3FB3] =	sst s5  }
0xe: {  	[smem:$0x3FB4] =	sst s6  }
0xf: {  	[smem:$0x3FB5] =	sst s7  }
0x10: {  	[smem:$0x3FB6] =	sst s8  }
0x11: {  	[smem:$0x3FB7] =	sst s9;
	s0 =	simm.s32 @!p0 $0x0  }
0x12: {  	s1 =	sld [smem:$0x3F9D];
	s0 =	simm.s32 @p0 $0x1  }
0x13: {  	[smem:$0x3FB8] =	sst s0;
	s0 =	simm.s32 @!p1 $0x0  }
0x14: {  	s2 =	sld [smem:$0x3F9C];
	s0 =	simm.s32 @p1 $0x1  }
0x15: {  	[smem:$0x3FB9] =	sst s0;
	s0 =	simm.s32 @!p2 $0x0  }
0x16: {  	s3 =	sld [smem:$0x3FDB];
	s0 =	simm.s32 @p2 $0x1  }
0x17: {  	s4 =	simm.s32 $0x1BF5;
	[smem:$0x3FBB] =	sst s0  }
0x18: {  	s0 =	sld [smem:$0x3F9E];
	_ =	swait.ge [sflag:s4], $0x0  }
0x19: {  	s7 =	sld [smem:$0x3F9F]  }
0x1a: {  	s8 =	sadd.s32 $0xFFFFE003, lr  }
0x1b: {  	s9 =	sadd.s32 $0xFFFFFEF7, lr;
	s5 =	simm.s32 $0xFFFFFFFF;
	p2 =	slt.u32 s8, $0xFFFFF086  }
0x1c: {  	p1 =	slt.u32 s9, $0xF7A;
	s5 =	simm.s32 @!p2 $0x0  }
0x1d: {  	s5 =	simm.s32 @p1 $0x1;
	p0 =	seq.s32 s7, s2  }
0x1e: {  	s7 =	smul.u32 @!p0 $0xF7A, s2;
	p2 =	seq.s32 @!p0 s5, $0x0  }
0x1f: {  	s9 =	smul.u32 $0xF7A, s1;
	s8 =	simm.s32 @!p0 $0x1BF5;
	p2 =	por !p2, p0  }
0x20: {  	[sflag:s8] =	ssyncset.s32 @!p0 $0xFFFFF086;
	s6 =	sadd.s32 @!p0 s3, s7;
	s7 =	simm.s32 @!p0 $0x108  }
0x21: {  	s3 =	sadd.s32 s3, s9;
	s6 =	sadd.s32 @!p0 $0x88, s6;
	s7 =	simm.s32 @p2 $0x1082  }
0x22: {  	[simem:s7], [sflag:s8] =	dma.local @!p0 [hbm:s6], $0xF7A  }
0x23: {  	s9 =	sor.u32 $0xD0000000, s2;
	s6 =	simm.s32 $0x108;
	_ =	swait.ge @!p0 [sflag:s8], $0x0  }
0x24: {  	s3 =	sadd.s32 $0x88, s3;
	s6 =	simm.s32 @!p1 $0x1082;
	[sflag:s4] =	ssyncset.s32 $0xFFFFF086  }
0x25: {  	[simem:s6], [sflag:s4] =	dma.local [hbm:s3], $0xF7A  }
0x26: {  	[smem:$0x3F9F] =	sst s1;
	(tag) =	ssettag s2;
	_ =	strace s9  }
0x27: {  	s1 =	sld [smem:$0x3FAF]  }
0x28: {  	s2 =	sld [smem:$0x3FB0]  }
0x29: {  	s4 =	sld [smem:$0x3FB2]  }
0x2a: {  	p0 =	seq.s32 s5, $0x0;
	s5 =	sld [smem:$0x3FB3]  }
0x2b: {  	s6 =	sld [smem:$0x3FB4]  }
0x2c: {  	s7 =	sld [smem:$0x3FB5]  }
0x2d: {  	s3 =	simm.s32 $0x108;
	s8 =	sld [smem:$0x3FB6]  }
0x2e: {  	s3 =	simm.s32 @!p0 $0x1082;
	s9 =	sld [smem:$0x3FB7]  }
0x2f: {  	lr =	sadd.s32 s0, s3;
	s0 =	sld [smem:$0x3FAE]  }
0x30: {  	s3 =	sld [smem:$0x3FB1]  }
0x31: {  	[smem:$0x3FBA] =	sst s10  }
0x32: {  	s10 =	sld [smem:$0x3FB8];
	_ =	sdelay $0x3  }
0x33: {  	p0 =	seq.s32 s10, $0x1;
	s10 =	sld [smem:$0x3FBA];
	_ =	sdelay $0x3  }
0x34: {  	[smem:$0x3FBA] =	sst s10  }
0x35: {  	s10 =	sld [smem:$0x3FB9];
	_ =	sdelay $0x3  }
0x36: {  	p1 =	seq.s32 s10, $0x1;
	s10 =	sld [smem:$0x3FBA];
	_ =	sdelay $0x3  }
0x37: {  	[smem:$0x3FBA] =	sst s10  }
0x38: {  	s10 =	sld [smem:$0x3FBB]  }
0x39: {  	_ = 	snop;
	(pc) =	sbr.ind lr, $3  }
0x3a: {  	_ = 	snop  }
0x3b: {  	_ = 	snop  }
0x3c: {  	p2 =	seq.s32 s10, $0x1;
	s10 =	sld [smem:$0x3FBA]  }
0x3d: {  	_ =	shalt  }
0x3e: {  	_ =	shalt  }
0x3f: {  	_ =	shalt  }
0x40: {  	_ =	shalt  }
0x41: {  	_ =	shalt  }
0x42: {  	_ =	shalt  }
0x43: {  	_ =	shalt  }
0x44: {  	_ =	shalt  }
0x45: {  	_ =	shalt  }
0x46: {  	_ =	shalt  }
0x47: {  	_ =	shalt  }
0x48: {  	_ =	shalt  }
0x49: {  	_ =	shalt  }
0x4a: {  	_ =	shalt  }
0x4b: {  	_ =	shalt  }
0x4c: {  	_ =	shalt  }
0x4d: {  	_ =	shalt  }
0x4e: {  	_ =	shalt  }
0x4f: {  	_ =	shalt  }
0x50: {  	_ =	shalt  }
0x51: {  	_ =	shalt  }
0x52: {  	_ =	shalt  }
0x53: {  	_ =	shalt  }
0x54: {  	_ =	shalt  }
0x55: {  	_ =	shalt  }
0x56: {  	_ =	shalt  }
0x57: {  	_ =	shalt  }
0x58: {  	_ =	shalt  }
0x59: {  	_ =	shalt  }
0x5a: {  	_ =	shalt  }
0x5b: {  	_ =	shalt  }
0x5c: {  	_ =	shalt  }
0x5d: {  	_ =	shalt  }
0x5e: {  	_ =	shalt  }
0x5f: {  	_ =	shalt  }
0x60: {  	_ =	shalt  }
0x61: {  	_ =	shalt  }
0x62: {  	_ =	shalt  }
0x63: {  	_ =	shalt  }
0x64: {  	_ =	shalt  }
0x65: {  	_ =	shalt  }
0x66: {  	_ =	shalt  }
0x67: {  	_ =	shalt  }
0x68: {  	_ =	shalt  }
0x69: {  	_ =	shalt  }
0x6a: {  	_ =	shalt  }
0x6b: {  	_ =	shalt  }
0x6c: {  	_ =	shalt  }
0x6d: {  	_ =	shalt  }
0x6e: {  	_ =	shalt  }
0x6f: {  	_ =	shalt  }
0x70: {  	_ =	shalt  }
0x71: {  	_ =	shalt  }
0x72: {  	_ =	shalt  }
0x73: {  	_ =	shalt  }
0x74: {  	_ =	shalt  }
0x75: {  	_ =	shalt  }
0x76: {  	_ =	shalt  }
0x77: {  	_ =	shalt  }
0x78: {  	_ =	shalt  }
0x79: {  	_ =	shalt  }
0x7a: {  	_ =	shalt  }
0x7b: {  	_ =	shalt  }
0x7c: {  	_ =	shalt  }
0x7d: {  	_ =	shalt  }
0x7e: {  	_ =	shalt  }
0x7f: {  	_ =	shalt  }
0x80: {  	_ =	shalt  }
0x81: {  	_ =	shalt  }
0x82: {  	_ =	shalt  }
0x83: {  	_ =	shalt  }
0x84: {  	_ =	shalt  }
0x85: {  	_ =	shalt  }
0x86: {  	_ =	shalt  }
0x87: {  	_ =	shalt  }
.Lfunc_end0:
.L_simem_size_0:
called_computation_lowered:
.L_overlay_start_0:
0x88: {  	s2 =	sld [smem:$0x3FD9]  }
0x89: {  	s3 =	sld [smem:$0x3FFE];
	_ =	sdelay $0x1  }
0x8a: {  	s1 =	srdreg.scid  }
0x8b: {  	s0 =	sand.u32 $0x1, s1  }
0x8c: {  	s17 =	sshll.u32 s0, $0xA;
	s2 =	sadd.s32 s3, s2  }
0x8d: {  	s2 =	sadd.s32 s2, s17  }
0x8e: {  	[smem:$0x3FC6] =	sst s2  }
0x8f: {  	_ = 	snop  }
0x90: {  	s2 =	sld [smem:$0x3FD0];
	(tm) =	ssettm $0x1  }
0x91: {  	s18 =	sld [smem:$0x3FFB];
	_ =	sdelay $0x3  }
0x92: {  	_ =	strace s18  }
0x93: {  	s3 =	sld [smem:$0x3FFC];
	_ =	sdelay $0x3  }
0x94: {  	_ =	strace s3  }
0x95: {  	s3 =	sld [smem:$0x3FFD];
	_ =	sdelay $0x3  }
0x96: {  	_ =	strace s3  }
0x97: {  	_ =	strace $0x8FFFFFFF  }
0x98: {  	s19 =	sld [smem:$0x3FDB];
	_ =	sdelay $0x1  }
0x99: {  	s4 =	simm.s32 $_scs_section_size  }
0x9a: {  	s5 =	simm.s32 $_size__tile_overlayer_lowered;
	s6 =	simm.s32 $_tile_overlayer_lowered  }
0x9b: {  	s22 =	simm.s32 $0x1BFF;
	s21 =	sshll.u32 s6, $0x1;
	s3 =	sadd.s32 s4, s19  }
0x9c: {  	s7 =	simm.s32 $0x0;
	s20 =	sshll.u32 s5, $0x1;
	s5 =	sadd.s32 s21, s3  }
0x9d: {  	[timem:s7], [sflag:s22] =	dma.local [hbm:s5], s20  }
0x9e: {  	_ =	swait.ge [sflag:s22], s20  }
0x9f: {  	s4 =	ssub.s32 $0x0, s20;
	[sflag:s22] =	ssyncset.done $0x0  }
0xa0: {  	[sflag:s22] =	ssyncadd.s32 s4;
	_ =	sdelay $0x1  }
0xa1: {  	s23 =	simm.s32 $0x1B8B  }
0xa2: {  	_ =	swait.ge [sflag:s23], $0x1  }
0xa3: {  	[sflag:s23] =	ssyncset.done $0x0  }
0xa4: {  	s25 =	simm.s32 $0x1B8E;
	s24 =	sld [smem:$0x3FFE];
	[sflag:s23] =	ssyncadd.s32 $0xFFFFFFFF  }
0xa5: {  	s26 =	simm.s32 $execute0_lowered;
	[smem:$0x3FD2] =	sst s25  }
0xa6: {  	s5 =	sshll.u32 s26, $0x1;
	_ =	strace $0x80000046;
	[dreg:$0x1] =	wrdreg $0xFFFFFFFF  }
0xa7: {  	s28 =	simm.s32 $_size_execute0_lowered;
	s3 =	sadd.s32 s3, s5;
	[dreg:$0x0] =	wrdreg $0x0  }
0xa8: {  	s5 =	sshll.u32 s28, $0x1;
	[dreg:$0x2] =	wrdreg s3  }
0xa9: {  	[dreg:$0x3] =	wrdreg s5  }
0xaa: {  	[dreg:$0x4] =	wrdreg $0xC0  }
0xab: {  	_ =	task [dreg:s7], $0x5FFFF  }
0xac: {  	[dreg:$0x1] =	wrdreg $0xFFFFFFFF  }
0xad: {  	[dreg:$0x0] =	wrdreg $0x60  }
0xae: {  	[dreg:$0x2] =	wrdreg s24  }
0xaf: {  	[dreg:$0x3] =	wrdreg s2  }
0xb0: {  	[dreg:$0x4] =	wrdreg $0x9  }
0xb1: {  	_ =	task.clear_ibuf [dreg:s7], $0x5FFFF;
	_ =	strace $0x90000046  }
0xb2: {  	s29 =	simm.s32 $0x9;
	_ =	strace $0x80000048  }
0xb3: {  	_ =	swait.ge [sflag:s29], $0x1  }
0xb4: {  	[sflag:s29] =	ssyncadd.s32 $0xFFFFFFFF  }
0xb5: {  	_ =	strace $0x90000048  }
0xb6: {  	_ =	sfence  }
0xb7: {  	s30 =	sld [smem:$0x0];
	_ =	sdelay $0x2  }
0xb8: {  	s31 =	sshll.u32 s1, $0xD;
	s1 =	sshrl.u32 s1, $0x2  }
0xb9: {  	s3 =	sand.u32 $0x4000, s31;
	s1 =	sadd.s32 s1, s30  }
0xba: {  	s0 =	sor.u32 s3, s0;
	s1 =	sshll.u32 s1, $0x11  }
0xbb: {  	s0 =	sor.u32 s1, s0  }
0xbc: {  	s0 =	sadd.s32 $0x8F2B, s0  }
0xbd: {  	[sflag:s0] =	ssyncadd.remote.s32 $0x1  }
0xbe: {  	_ =	sfence.sel $0xFFFF  }
0xbf: {  	[dreg:$0x0] =	wrdreg $0xFFFFFFFF;
	(pc) =	sbr.abs _section_cstart, $3  }
0xc0: {  	[dreg:$0x1] =	wrdreg $0xFFFFFFFF  }
0xc1: {  	_ =	task.clear_ibuf [dreg:s7], $0x2FFFF;
	_ =	strace $0x9FFFFFFF  }
0xc2: {  	(tm) =	ssettm $0x7FFFFFFF  }
0xc3: {  	_ =	shalt  }
tec
execute0_lowered:
.L_overlay_start_1:
0x0: {  	(tag) =	ssettag $0x1  }
0x1: {  	s0 =	rddreg [dreg:$0x0];
	s1 =	srdreg.scid  }
0x2: {  	s2 =	stileid.u32;
	s4 =	rddreg [dreg:$0x1];
	s13 =	simm.s32 $0x640  }
0x3: {  	s14 =	simm.s32 $0xC80;
	s15 =	simm.s32 $0x12C0;
	s16 =	simm.s32 $0x1  }
0x4: {  	s17 =	simm.s32 $0x190;
	s18 =	simm.s32 $0x1900;
	s19 =	simm.s32 $0x7D00  }
0x5: {  	s30 =	simm.s32 $0x4;
	s1 =	sand.u32 $0x1, s1;
	s3 =	sshll.u32 s2, $0x1  }
0x6: {  	s29 =	simm.s32 $0x6;
	s31 =	simm.s32 $0x7;
	s5 =	sor.u32 s1, s3  }
0x7: {  	s28 =	simm.s32 $0xC;
	s2 =	simm.s32 $0x0;
	s3 =	smul.u32 $0x640, s5  }
0x8: {  	[smem:$0x7FF] =	sst s2;
	s1 =	ssub.s32 $0x2, s1;
	s7 =	smul.u32 $0x19000, s5  }
0x9: {  	_ =	strace $0x80000047;
	s6 =	sshrl.u32 s1, $0x1;
	s22 =	smul.u32 $0x3200, s5  }
0xa: {  	s20 =	ssub.s32 s1, s6;
	s1 =	simm.s32 $0x8;
	s3 =	sshrl.u32 s3, $0x3  }
0xb: {  	s23 =	sshrl.u32 s7, $0x3;
	s12 =	smax.u32 s20, $0x1;
	s20 =	simm.s32 $0x5  }
0xc: {  	s8 =	sadd.s32 s3, s0;
	s3 =	sadd.s32 $0x61AE00, s0;
	s5 =	sadd.s32 s4, s23  }
0xd: {  	s23 =	simm.s32 $0x14500;
	s0 =	simm.s32 $0x9;
	s21 =	sadd.s32 $0x600, s8  }
0xe: {  	s24 =	sadd.s32 $0x1F00, s8;
	s25 =	sadd.s32 $0x3800, s8;
	s26 =	sadd.s32 $0x5100, s8  }
0xf: {  	s8 =	sadd.s32 s4, s22;
	s9 =	sadd.s32 $0xC80, s5;
	[dreg:$0x3] =	wrdreg s21  }
0x10: {  	s10 =	sadd.s32 $0x1900, s5;
	s11 =	sadd.s32 $0x2580, s5;
	[dreg:$0x4] =	wrdreg s24  }
0x11: {  	s22 =	simm.s32 $0xA;
	s4 =	simm.s32 $0xD;
	[dreg:$0x5] =	wrdreg s25  }
0x12: {  	s5 =	simm.s32 $0x0;
	[dreg:$0x6] =	wrdreg s26;
	s21 =	simm.s32 $0xE100  }
0x13: {  	s24 =	simm.s32 $0x2;
	s25 =	simm.s32 $0x3;
	s26 =	simm.s32 $0xB  }
.LBB2_1:
0x14: {  	s6 =	rddreg [dreg:$0x3]  }
0x15: {  	[tilespmem:s2], [sflag:$0x1] =	stream.linear.gather [hbm4b:s6+s2], $0x640, $0x38;
	[tilespmem:$0x1A900] =	vst v63  }
0x16: {  	s7 =	rddreg [dreg:$0x4]  }
0x17: {  	[tilespmem:s13], [sflag:$0x1] =	stream.linear.gather [hbm4b:s7+s2], $0x640, $0x38;
	[tilespmem:$0x1A900] =	vst v63  }
0x18: {  	s7 =	rddreg [dreg:$0x5]  }
0x19: {  	[tilespmem:s14], [sflag:$0x1] =	stream.linear.gather [hbm4b:s7+s2], $0x640, $0x38;
	[tilespmem:$0x1A900] =	vst v63  }
0x1a: {  	s7 =	rddreg [dreg:$0x6]  }
0x1b: {  	[tilespmem:s15], [sflag:$0x1] =	stream.linear.gather [hbm4b:s7+s2], $0x640, $0x38;
	[tilespmem:$0x1A900] =	vst v63  }
0x1c: {  	_ =	swait.ge [sflag:s16], $0x640  }
0x1d: {  	[sflag:s16] =	ssyncset.done $0x0  }
0x1e: {  	[sflag:s16] =	ssyncadd.s32 $0xFFFFF9C0  }
0x1f: {  	_ =	swait.ge [sflag:s16], $0x640  }
0x20: {  	[sflag:s16] =	ssyncset.done $0x0  }
0x21: {  	[sflag:s16] =	ssyncadd.s32 $0xFFFFF9C0  }
0x22: {  	_ =	swait.ge [sflag:s16], $0x640  }
0x23: {  	[sflag:s16] =	ssyncset.done $0x0  }
0x24: {  	[sflag:s16] =	ssyncadd.s32 $0xFFFFF9C0  }
0x25: {  	_ =	swait.ge [sflag:s16], $0x640  }
0x26: {  	[sflag:s16] =	ssyncset.done $0x0  }
0x27: {  	s6 =	simm.s32 $0x0;
	s7 =	simm.s32 $0x40;
	[sflag:s16] =	ssyncadd.s32 $0xFFFFF9C0  }
.LBB2_2:
0x28: {  	p0 =	sne.s32 s7, $0x18C0;
	v0 =	vld [tilespmem:s6+$0x640];
	_ =	sdelay $0x1  }
.Ltmp0:
0x29: {  	(pc) =	sbr.rel @p0 .LBB2_2-.Ltmp0, $3  }
0x2a: {  	_ =	sdelay $0x1  }
0x2b: {  	v0 =	vadd.s32 $0x186A0, v0  }
0x2c: {  	[tilespmem:s6+$0x640] =	vst v0;
	s6 =	sshra.s32 s7, $0x2;
	s7 =	sadd.s32 $0x40, s7  }
0x2d: {  	v0 =	vld [tilespmem:s6+$0x640];
	_ =	sdelay $0x4  }
0x2e: {  	v0 =	vadd.s32 $0x186A0, v0  }
0x2f: {  	s7 =	simm.s32 $0x40;
	[tilespmem:s6+$0x640] =	vst v0;
	s6 =	simm.s32 $0x0  }
.LBB2_4:
0x30: {  	p0 =	sne.s32 s7, $0x18C0;
	v0 =	vld [tilespmem:s6+$0xC80];
	_ =	sdelay $0x1  }
.Ltmp1:
0x31: {  	(pc) =	sbr.rel @p0 .LBB2_4-.Ltmp1, $3  }
0x32: {  	_ =	sdelay $0x1  }
0x33: {  	v0 =	vadd.s32 $0x30D40, v0  }
0x34: {  	[tilespmem:s6+$0xC80] =	vst v0;
	s6 =	sshra.s32 s7, $0x2;
	s7 =	sadd.s32 $0x40, s7  }
0x35: {  	v0 =	vld [tilespmem:s6+$0xC80];
	_ =	sdelay $0x4  }
0x36: {  	v0 =	vadd.s32 $0x30D40, v0  }
0x37: {  	s7 =	simm.s32 $0x40;
	[tilespmem:s6+$0xC80] =	vst v0;
	s6 =	simm.s32 $0x0  }
.LBB2_6:
0x38: {  	p0 =	sne.s32 s7, $0x18C0;
	v0 =	vld [tilespmem:s6+$0x12C0];
	_ =	sdelay $0x1  }
.Ltmp2:
0x39: {  	(pc) =	sbr.rel @p0 .LBB2_6-.Ltmp2, $3  }
0x3a: {  	_ =	sdelay $0x1  }
0x3b: {  	v0 =	vadd.s32 $0x493E0, v0  }
0x3c: {  	[tilespmem:s6+$0x12C0] =	vst v0;
	s6 =	sshra.s32 s7, $0x2;
	s7 =	sadd.s32 $0x40, s7  }
0x3d: {  	v0 =	vld [tilespmem:s6+$0x12C0];
	_ =	sdelay $0x4  }
0x3e: {  	v0 =	vadd.s32 $0x493E0, v0  }
0x3f: {  	[tilespmem:s6+$0x12C0] =	vst v0  }
0x40: {  	[tilespmem:s18], [sflag:$0x2] =	stream.indirect.gather [hbm4b:s3+s17], $0x40, s2, s17, $0xb8;
	[tilespmem:$0x1A900] =	vst v63  }
0x41: {  	_ = 	snop  }
0x42: {  	[tilespmem:s19], [sflag:$0x3] =	stream.indirect.gather [hbm4b:s3+s17], $0x40, s17, s17, $0xb8;
	[tilespmem:$0x1A900] =	vst v63  }
0x43: {  	s7 =	simm.s32 $0x320  }
0x44: {  	[tilespmem:s21], [sflag:$0x4] =	stream.indirect.gather [hbm4b:s3+s17], $0x40, s7, s17, $0xb8;
	[tilespmem:$0x1A900] =	vst v63  }
0x45: {  	s7 =	simm.s32 $0x4B0  }
0x46: {  	[tilespmem:s23], [sflag:$0x5] =	stream.indirect.gather [hbm4b:s3+s17], $0x40, s7, s17, $0xb8;
	[tilespmem:$0x1A900] =	vst v63  }
0x47: {  	_ =	swait.ge [sflag:s24], $0x6400  }
0x48: {  	[sflag:s24] =	ssyncset.done $0x0  }
0x49: {  	[sflag:s24] =	ssyncadd.s32 $0xFFFF9C00  }
0x4a: {  	[tilespmem:s18], [sflag:$0x6] =	stream.indirect.gather.add.f32 [hbm:s3], $0x40, s13, s17, $0xb8;
	[tilespmem:$0x1A900] =	vst v63  }
0x4b: {  	_ = 	snop  }
0x4c: {  	[tilespmem:s18], [sflag:$0x6] =	stream.indirect.gather.add.f32 [hbm:s3], $0x40, s14, s17, $0xb8;
	[tilespmem:$0x1A900] =	vst v63  }
0x4d: {  	_ = 	snop  }
0x4e: {  	[tilespmem:s18], [sflag:$0x6] =	stream.indirect.gather.add.f32 [hbm:s3], $0x40, s15, s17, $0xb8;
	[tilespmem:$0x1A900] =	vst v63  }
0x4f: {  	_ =	swait.ge [sflag:s25], $0x6400  }
0x50: {  	[sflag:s25] =	ssyncset.done $0x0  }
0x51: {  	s7 =	simm.s32 $0x7D0;
	[sflag:s25] =	ssyncadd.s32 $0xFFFF9C00  }
0x52: {  	[tilespmem:s19], [sflag:$0x7] =	stream.indirect.gather.add.f32 [hbm:s3], $0x40, s7, s17, $0xb8;
	[tilespmem:$0x1A900] =	vst v63  }
0x53: {  	s7 =	simm.s32 $0xE10  }
0x54: {  	[tilespmem:s19], [sflag:$0x7] =	stream.indirect.gather.add.f32 [hbm:s3], $0x40, s7, s17, $0xb8;
	[tilespmem:$0x1A900] =	vst v63  }
0x55: {  	s7 =	simm.s32 $0x1450  }
0x56: {  	[tilespmem:s19], [sflag:$0x7] =	stream.indirect.gather.add.f32 [hbm:s3], $0x40, s7, s17, $0xb8;
	[tilespmem:$0x1A900] =	vst v63  }
0x57: {  	_ =	swait.ge [sflag:s30], $0x6400  }
0x58: {  	[sflag:s30] =	ssyncset.done $0x0  }
0x59: {  	s7 =	simm.s32 $0x960;
	[sflag:s30] =	ssyncadd.s32 $0xFFFF9C00  }
0x5a: {  	[tilespmem:s21], [sflag:$0x8] =	stream.indirect.gather.add.f32 [hbm:s3], $0x40, s7, s17, $0xb8;
	[tilespmem:$0x1A900] =	vst v63  }
0x5b: {  	s7 =	simm.s32 $0xFA0  }
0x5c: {  	[tilespmem:s21], [sflag:$0x8] =	stream.indirect.gather.add.f32 [hbm:s3], $0x40, s7, s17, $0xb8;
	[tilespmem:$0x1A900] =	vst v63  }
0x5d: {  	s7 =	simm.s32 $0x15E0  }
0x5e: {  	[tilespmem:s21], [sflag:$0x8] =	stream.indirect.gather.add.f32 [hbm:s3], $0x40, s7, s17, $0xb8;
	[tilespmem:$0x1A900] =	vst v63  }
0x5f: {  	_ =	swait.ge [sflag:s20], $0x6400  }
0x60: {  	[sflag:s20] =	ssyncset.done $0x0  }
0x61: {  	s7 =	simm.s32 $0xAF0;
	[sflag:s20] =	ssyncadd.s32 $0xFFFF9C00  }
0x62: {  	[tilespmem:s23], [sflag:$0x9] =	stream.indirect.gather.add.f32 [hbm:s3], $0x40, s7, s17, $0xb8;
	[tilespmem:$0x1A900] =	vst v63  }
0x63: {  	s7 =	simm.s32 $0x1130  }
0x64: {  	[tilespmem:s23], [sflag:$0x9] =	stream.indirect.gather.add.f32 [hbm:s3], $0x40, s7, s17, $0xb8;
	[tilespmem:$0x1A900] =	vst v63  }
0x65: {  	s7 =	simm.s32 $0x1770  }
0x66: {  	[tilespmem:s23], [sflag:$0x9] =	stream.indirect.gather.add.f32 [hbm:s3], $0x40, s7, s17, $0xb8;
	[tilespmem:$0x1A900] =	vst v63  }
0x67: {  	_ =	swait.ge [sflag:s29], $0x6400  }
0x68: {  	[sflag:s29] =	ssyncset.done $0x0  }
0x69: {  	[sflag:s29] =	ssyncadd.s32 $0xFFFF9C00  }
0x6a: {  	_ =	swait.ge [sflag:s29], $0x6400  }
0x6b: {  	[sflag:s29] =	ssyncset.done $0x0  }
0x6c: {  	[sflag:s29] =	ssyncadd.s32 $0xFFFF9C00  }
0x6d: {  	_ =	swait.ge [sflag:s29], $0x6400  }
0x6e: {  	[sflag:s29] =	ssyncset.done $0x0  }
0x6f: {  	[sflag:s29] =	ssyncadd.s32 $0xFFFF9C00  }
0x70: {  	[hbm4b:s8+s2] =	stream.linear.scatter [tilespmem:s18], [sflag:$0xA], $0x6400, $0x38;
	[tilespmem:$0x1A900] =	vst v63  }
0x71: {  	_ =	swait.ge [sflag:s31], $0x6400  }
0x72: {  	[sflag:s31] =	ssyncset.done $0x0  }
0x73: {  	[sflag:s31] =	ssyncadd.s32 $0xFFFF9C00  }
0x74: {  	_ =	swait.ge [sflag:s31], $0x6400  }
0x75: {  	[sflag:s31] =	ssyncset.done $0x0  }
0x76: {  	[sflag:s31] =	ssyncadd.s32 $0xFFFF9C00  }
0x77: {  	_ =	swait.ge [sflag:s31], $0x6400  }
0x78: {  	[sflag:s31] =	ssyncset.done $0x0  }
0x79: {  	[sflag:s31] =	ssyncadd.s32 $0xFFFF9C00  }
0x7a: {  	[hbm4b:s9+s2] =	stream.linear.scatter [tilespmem:s19], [sflag:$0xB], $0x6400, $0x38;
	[tilespmem:$0x1A900] =	vst v63  }
0x7b: {  	_ =	swait.ge [sflag:s1], $0x6400  }
0x7c: {  	[sflag:s1] =	ssyncset.done $0x0  }
0x7d: {  	[sflag:s1] =	ssyncadd.s32 $0xFFFF9C00  }
0x7e: {  	_ =	swait.ge [sflag:s1], $0x6400  }
0x7f: {  	[sflag:s1] =	ssyncset.done $0x0  }
0x80: {  	[sflag:s1] =	ssyncadd.s32 $0xFFFF9C00  }
0x81: {  	_ =	swait.ge [sflag:s1], $0x6400  }
0x82: {  	[sflag:s1] =	ssyncset.done $0x0  }
0x83: {  	[sflag:s1] =	ssyncadd.s32 $0xFFFF9C00  }
0x84: {  	[hbm4b:s10+s2] =	stream.linear.scatter [tilespmem:s21], [sflag:$0xC], $0x6400, $0x38;
	[tilespmem:$0x1A900] =	vst v63  }
0x85: {  	_ =	swait.ge [sflag:s0], $0x6400  }
0x86: {  	[sflag:s0] =	ssyncset.done $0x0  }
0x87: {  	[sflag:s0] =	ssyncadd.s32 $0xFFFF9C00  }
0x88: {  	_ =	swait.ge [sflag:s0], $0x6400  }
0x89: {  	[sflag:s0] =	ssyncset.done $0x0  }
0x8a: {  	[sflag:s0] =	ssyncadd.s32 $0xFFFF9C00  }
0x8b: {  	_ =	swait.ge [sflag:s0], $0x6400  }
0x8c: {  	[sflag:s0] =	ssyncset.done $0x0  }
0x8d: {  	[sflag:s0] =	ssyncadd.s32 $0xFFFF9C00  }
0x8e: {  	[hbm4b:s11+s2] =	stream.linear.scatter [tilespmem:s23], [sflag:$0xD], $0x6400, $0x38;
	[tilespmem:$0x1A900] =	vst v63  }
0x8f: {  	_ =	swait.ge [sflag:s22], $0x6400  }
0x90: {  	[sflag:s22] =	ssyncset.done $0x0  }
0x91: {  	[sflag:s22] =	ssyncadd.s32 $0xFFFF9C00  }
0x92: {  	_ =	swait.ge [sflag:s26], $0x6400  }
0x93: {  	[sflag:s26] =	ssyncset.done $0x0  }
0x94: {  	s5 =	sadd.s32 $0x1, s5;
	[sflag:s26] =	ssyncadd.s32 $0xFFFF9C00  }
0x95: {  	p0 =	sne.s32 s5, s12;
	_ =	swait.ge [sflag:s28], $0x6400  }
.Ltmp3:
0x96: {  	[sflag:s28] =	ssyncset.done $0x0;
	(pc) =	sbr.rel @p0 .LBB2_1-.Ltmp3, $4  }
0x97: {  	[sflag:s28] =	ssyncadd.s32 $0xFFFF9C00  }
0x98: {  	_ =	swait.ge [sflag:s4], $0x6400  }
0x99: {  	[sflag:s4] =	ssyncset.done $0x0  }
0x9a: {  	[sflag:s4] =	ssyncadd.s32 $0xFFFF9C00  }
0x9b: {  	_ =	sfence.sel $0x180000  }
0x9c: {  	[bflag:$0x0] =	sbarrier.arrive $0xFFFF  }
0x9d: {  	_ =	strace $0x90000047  }
0x9e: {  	s0 =	stileid.u32;
	[bflag:$0x2] =	sbarrier.arrive $0xFFFF  }
0x9f: {  	p0 =	sne.s32 s0, $0x0;
	s0 =	rddreg [dreg:$0x2]  }
0xa0: {  	s0 =	sadd.s32 @!p0 $0x100000, s0  }
0xa1: {  	[sflag:s0] =	ssyncadd.tile.s32 @!p0 $0x1;
	_ =	shalt  }
.Lfunc_end2:
_tile_overlayer_lowered:
.L_overlay_start_2:
0xa2: {  	(tag) =	ssettag $0x2  }
0xa3: {  	s0 =	rddreg [dreg:$0x0];
	s2 =	stileid.u32  }
0xa4: {  	s1 =	rddreg [dreg:$0x1];
	p0 =	sne.s32 s2, $0x0  }
0xa5: {  	s3 =	rddreg [dreg:$0x2];
	[bflag:$0x3] =	sbarrier.arrive $0xFFFF;
	s2 =	simm.s32 @!p0 $0x1C0E  }
0xa6: {  	[timem:s3], [sflag:s2] =	dma.local @!p0 [hbm:s0], s1  }
0xa7: {  	s0 =	simm.s32 @!p0 $0xE  }
0xa8: {  	_ =	swait.ge @!p0 [sflag:s0], s1  }
0xa9: {  	s1 =	ssub.s32 @!p0 $0x0, s1;
	[sflag:s0] =	ssyncset.done @!p0 $0x0  }
0xaa: {  	[sflag:s0] =	ssyncadd.s32 @!p0 s1  }
0xab: {  	[bflag:$0x3] =	sbarrier.arrive $0xFFFF  }
0xac: {  	_ =	shalt  }

</sc_bundles>
